<compile_context>
chip_gen: v7x
topology: tpu7x:2x2x1
jax: 0.10.2.dev20260603
libtpu: 0.0.44.dev20260713+nightly
codegen_flags: <defaults>
</compile_context>

<pallas_src>
import functools

import jax
import jax.numpy as jnp
from jax import lax
from jax.experimental import pallas as pl
from jax.experimental.pallas import tpu as pltpu
from jax.experimental.pallas import tpu_sc as plsc

BATCH = 16384
CUST_VOCAB = 264055
CUST_DIM = 18
PROD_DIM = 7
DENSE_DIM = 13
CUST_PAD = 24
PROD_PAD = 8
H0, H1 = 1024, 512

NC, NS = 2, 16
NW = NC * NS
B_PER_W = BATCH // NW

GRAN = 8
GPR = 4
NGR = B_PER_W * GPR
TAB_WORDS = CUST_VOCAB * CUST_DIM
TAB_GROWS = ((CUST_VOCAB - 1) * CUST_DIM) // GRAN + GPR + 1
TAB_PAD_WORDS = TAB_GROWS * GRAN - TAB_WORDS


def _sc_gather_body(cust_idx_hbm, prod_idx_hbm, w_cust_hbm, w_prod_hbm,
                    cust_out_hbm, prod_out_hbm,
                    cidx_v, pidx_v, glist_v, gdst_v, pdst_v, sem):
    wid = lax.axis_index("s") * NC + lax.axis_index("c")
    pltpu.sync_copy(cust_idx_hbm.at[wid], cidx_v)
    pltpu.sync_copy(prod_idx_hbm.at[wid], pidx_v)

    def build(v, carry):
        idxv = cidx_v[pl.ds(v * 16, 16)]
        g0 = (idxv * CUST_DIM) >> 3
        for j in range(GPR):
            glist_v[pl.ds(j * B_PER_W + v * 16, 16)] = g0 + j
        return carry

    lax.fori_loop(0, B_PER_W // 16, build, 0)

    pgather = pltpu.async_copy(w_prod_hbm.at[pidx_v], pdst_v, sem)
    cgather = pltpu.async_copy(w_cust_hbm.at[glist_v], gdst_v, sem)
    pgather.wait()
    cgather.wait()

    pltpu.sync_copy(gdst_v, cust_out_hbm.at[wid])
    pltpu.sync_copy(pdst_v, prod_out_hbm.at[wid])


@functools.cache
def _sc_gather_kernel():
    mesh = plsc.VectorSubcoreMesh(core_axis_name="c", subcore_axis_name="s")
    return pl.kernel(
        _sc_gather_body,
        out_type=(
            jax.ShapeDtypeStruct((NW, NGR, GRAN), jnp.float32),
            jax.ShapeDtypeStruct((NW, B_PER_W, PROD_PAD), jnp.float32),
        ),
        mesh=mesh,
        scratch_types=[
            pltpu.VMEM((B_PER_W,), jnp.int32),
            pltpu.VMEM((B_PER_W,), jnp.int32),
            pltpu.VMEM((NGR,), jnp.int32),
            pltpu.VMEM((NGR, GRAN), jnp.float32),
            pltpu.VMEM((B_PER_W, PROD_PAD), jnp.float32),
            pltpu.SemaphoreType.DMA,
        ],
        compiler_params=pltpu.CompilerParams(use_tc_tiling_on_sc=False),
    )


def _mlp_body(c0_ref, c1_ref, c2_ref, c3_ref, cidx_ref, prod_ref, dense_ref,
              w1_ref, b1_ref, w2_ref, b2_ref, w3_ref, b3_ref, out_ref):
    bm = B_PER_W
    planes = [jnp.reshape(r[...], (bm, GRAN)) for r in
              (c0_ref, c1_ref, c2_ref, c3_ref)]
    x32 = jnp.concatenate(planes, axis=1)
    shift = (cidx_ref[...] * CUST_DIM) & 7
    x24 = jnp.zeros((bm, CUST_PAD), jnp.float32)
    for s in (0, 2, 4, 6):
        m = (shift == s).astype(jnp.float32)
        x24 = x24 + m * x32[:, s:s + CUST_PAD]
    x = jnp.concatenate([x24, prod_ref[...], dense_ref[...]], axis=1)
    h = x @ w1_ref[...] + b1_ref[...]
    h = jnp.maximum(h, 0.0)
    h = jnp.matmul(h.astype(jnp.bfloat16), w2_ref[...],
                   preferred_element_type=jnp.float32) + b2_ref[...]
    h = jnp.maximum(h, 0.0)
    o = h @ w3_ref[...] + b3_ref[...]
    out_ref[...] = jax.nn.sigmoid(o)


def _tc_mlp(cust_raw, cidx2, prod_emb, dense, W1p, b1, W2bf, b2, W3, b3):
    bm = B_PER_W
    grid = (NW,)
    full = lambda shape: pl.BlockSpec(shape, lambda i: (0, 0))

    def plane_spec(j):
        return pl.BlockSpec((1, 1, bm, GRAN), lambda i, j=j: (i, j, 0, 0))

    return pl.pallas_call(
        _mlp_body,
        grid=grid,
        in_specs=[
            plane_spec(0), plane_spec(1), plane_spec(2), plane_spec(3),
            pl.BlockSpec((bm, 1), lambda i: (i, 0)),
            pl.BlockSpec((bm, PROD_PAD), lambda i: (i, 0)),
            pl.BlockSpec((bm, DENSE_DIM), lambda i: (i, 0)),
            full(W1p.shape),
            full(b1.shape),
            full(W2bf.shape),
            full(b2.shape),
            full(W3.shape),
            full(b3.shape),
        ],
        out_specs=pl.BlockSpec((bm, 1), lambda i: (i, 0)),
        out_shape=jax.ShapeDtypeStruct((BATCH, 1), jnp.float32),
        compiler_params=pltpu.CompilerParams(
            dimension_semantics=("arbitrary",)),
    )(cust_raw, cust_raw, cust_raw, cust_raw, cidx2, prod_emb, dense,
      W1p, b1, W2bf, b2, W3, b3)


def kernel(core_cust_id_input, prod_code_input, dense_input, W_cust, W_prod,
           W1, b1, W2, b2, W3, b3):
    cidx = core_cust_id_input.reshape(NW, B_PER_W)
    pidx = prod_code_input.reshape(NW, B_PER_W)
    w_cust_g = jnp.concatenate(
        [W_cust.reshape(-1), jnp.zeros((TAB_PAD_WORDS,), jnp.float32)]
    ).reshape(TAB_GROWS, GRAN)
    w_prod_p = jnp.pad(W_prod, ((0, 0), (0, PROD_PAD - PROD_DIM)))
    cust_raw, prod_emb = _sc_gather_kernel()(cidx, pidx, w_cust_g, w_prod_p)
    cust_raw = cust_raw.reshape(NW, GPR, B_PER_W, GRAN)
    prod_emb = prod_emb.reshape(BATCH, PROD_PAD)
    cidx2 = core_cust_id_input.reshape(BATCH, 1)
    zc = jnp.zeros((CUST_PAD - CUST_DIM, H0), jnp.float32)
    zp = jnp.zeros((PROD_PAD - PROD_DIM, H0), jnp.float32)
    W1p = jnp.concatenate(
        [W1[0:CUST_DIM], zc, W1[CUST_DIM:CUST_DIM + PROD_DIM], zp,
         W1[CUST_DIM + PROD_DIM:]], axis=0)
    return _tc_mlp(
        cust_raw, cidx2, prod_emb, dense_input,
        W1p, b1.reshape(1, H0), W2.astype(jnp.bfloat16), b2.reshape(1, H1),
        W3, b3.reshape(1, 1))

# --- scband reference (transcript-rebuilt; emitter-appended) ---
"""Pipeline reference for scband-cls-module-33045478376028 (READ-ONLY COPY).

The authoritative reference and input builder live on the scoring server;
editing this copy changes nothing except your own understanding.
"""

import jax, jax.numpy as jnp
import numpy as np
import math

CUST_VOCAB = 264055
PROD_VOCAB = 129
CUST_DIM = int(math.log2(CUST_VOCAB))  # 18
PROD_DIM = int(math.log2(PROD_VOCAB))  # 7
DENSE_DIM = 13
BATCH = 16384
H0, H1 = 1024, 512
DNN_IN = CUST_DIM + PROD_DIM + DENSE_DIM  # 38


def setup_inputs(seed: int = 0) -> dict:
    key = jax.random.key(seed)
    ks = jax.random.split(key, 12)
    core_cust_id_input = jax.random.randint(ks[0], (BATCH,), 0, CUST_VOCAB, dtype=jnp.int32)
    prod_code_input = jax.random.randint(ks[1], (BATCH,), 0, PROD_VOCAB, dtype=jnp.int32)
    dense_input = jax.random.normal(ks[2], (BATCH, DENSE_DIM), dtype=jnp.float32)
    W_cust = jax.random.normal(ks[3], (CUST_VOCAB, CUST_DIM), dtype=jnp.float32)
    W_prod = jax.random.normal(ks[4], (PROD_VOCAB, PROD_DIM), dtype=jnp.float32)
    W1 = jax.random.normal(ks[5], (DNN_IN, H0), dtype=jnp.float32) * (1.0 / np.sqrt(DNN_IN))
    b1 = jnp.zeros((H0,), dtype=jnp.float32)
    W2 = jax.random.normal(ks[6], (H0, H1), dtype=jnp.float32) * (1.0 / np.sqrt(H0))
    b2 = jnp.zeros((H1,), dtype=jnp.float32)
    W3 = jax.random.normal(ks[7], (H1, 1), dtype=jnp.float32) * (1.0 / np.sqrt(H1))
    b3 = jnp.zeros((1,), dtype=jnp.float32)
    return {
        'core_cust_id_input': core_cust_id_input,
        'prod_code_input': prod_code_input,
        'dense_input': dense_input,
        'W_cust': W_cust,
        'W_prod': W_prod,
        'W1': W1, 'b1': b1,
        'W2': W2, 'b2': b2,
        'W3': W3, 'b3': b3,
    }


def reference(core_cust_id_input, prod_code_input, dense_input, W_cust, W_prod, W1, b1, W2, b2, W3, b3):
    cust_emb = jnp.take(W_cust, core_cust_id_input, axis=0)
    prod_emb = jnp.take(W_prod, prod_code_input, axis=0)
    dnn_input = jnp.concatenate([cust_emb, prod_emb, dense_input], axis=1)
    h = jax.nn.relu(dnn_input @ W1 + b1)
    h = jax.nn.relu(h @ W2 + b2)
    out = jax.nn.sigmoid(h @ W3 + b3)
    return out

if __name__ == "__main__":
    import jax
    _d = setup_inputs()
    print(jax.jit(kernel)(*tuple(_d.values())))

</pallas_src>

<mosaic_0001>
#map = affine_map<(d0, d1) -> (0, 0)>
#map1 = affine_map<(d0, d1) -> (0, 0, 0)>
module attributes {stable_mosaic.version = 14 : i64} {
  func.func @_sc_gather_body(%arg0: i32, %arg1: i32, %arg2: memref<32x512xi32, #tpu.memory_space<hbm>>, %arg3: memref<32x512xi32, #tpu.memory_space<hbm>>, %arg4: memref<594126x8xf32, #tpu.memory_space<hbm>>, %arg5: memref<129x8xf32, #tpu.memory_space<hbm>>, %arg6: memref<32x2048x8xf32, #tpu.memory_space<hbm>>, %arg7: memref<32x512x8xf32, #tpu.memory_space<hbm>>, %arg8: memref<512xi32, #tpu.memory_space<vmem>>, %arg9: memref<512xi32, #tpu.memory_space<vmem>>, %arg10: memref<2048xi32, #tpu.memory_space<vmem>>, %arg11: memref<2048x8xf32, #tpu.memory_space<vmem>>, %arg12: memref<512x8xf32, #tpu.memory_space<vmem>>, %arg13: memref<!tpu.dma_semaphore, #tpu.memory_space<semaphore_mem>>) attributes {dimension_semantics = [#tpu.dimension_semantics<core_parallel>, #tpu.dimension_semantics<subcore_parallel>], iteration_bounds = array<i64: 2, 16>, scalar_prefetch = 0 : i64, scratch_operands = 6 : i64, tpu.core_type = #tpu.core_type<sc_vector_subcore>, window_params = [{transform_indices = #map}, {transform_indices = #map}, {transform_indices = #map}, {transform_indices = #map}, {transform_indices = #map1}, {transform_indices = #map1}]} {
    %mul3A = arith.constant 2 : i32
    %mul3A_0 = arith.muli %arg1, %mul3A : i32
    %add3A = arith.addi %mul3A_0, %arg0 : i32
    "tpu.region"() ({
      %run_scoped3A = tpu.sem_alloc : memref<!tpu.dma_semaphore, #tpu.memory_space<semaphore_mem>>
      %dma_start3A_16 = arith.constant 0 : i32
      %dma_start3A_17 = tpu.memref_slice %arg2[%add3A, %dma_start3A_16] : memref<32x512xi32, #tpu.memory_space<hbm>> -> memref<1x512xi32, #tpu.memory_space<hbm>>
      %dma_start3A_18 = tpu.memref_squeeze %dma_start3A_17 : memref<1x512xi32, #tpu.memory_space<hbm>> -> memref<512xi32, #tpu.memory_space<hbm>>
      %dma_start3A_19 = arith.constant 0 : i32
      %dma_start3A_20 = tpu.memref_slice %arg2[%add3A, %dma_start3A_19] : memref<32x512xi32, #tpu.memory_space<hbm>> -> memref<1x512xi32, #tpu.memory_space<hbm>>
      %dma_start3A_21 = tpu.memref_squeeze %dma_start3A_20 : memref<1x512xi32, #tpu.memory_space<hbm>> -> memref<512xi32, #tpu.memory_space<hbm>>
      tpu.enqueue_dma source(%dma_start3A_21 : memref<512xi32, #tpu.memory_space<hbm>>) target(%arg8 : memref<512xi32, #tpu.memory_space<vmem>>) target_semaphore(%run_scoped3A : memref<!tpu.dma_semaphore, #tpu.memory_space<semaphore_mem>>)
      %dma_wait3A_22 = arith.constant 0 : i32
      %dma_wait3A_23 = tpu.memref_slice %arg2[%add3A, %dma_wait3A_22] : memref<32x512xi32, #tpu.memory_space<hbm>> -> memref<1x512xi32, #tpu.memory_space<hbm>>
      %dma_wait3A_24 = tpu.memref_squeeze %dma_wait3A_23 : memref<1x512xi32, #tpu.memory_space<hbm>> -> memref<512xi32, #tpu.memory_space<hbm>>
      %dma_wait3A_25 = arith.constant 0 : i32
      %dma_wait3A_26 = tpu.memref_slice %arg2[%add3A, %dma_wait3A_25] : memref<32x512xi32, #tpu.memory_space<hbm>> -> memref<1x512xi32, #tpu.memory_space<hbm>>
      %dma_wait3A_27 = tpu.memref_squeeze %dma_wait3A_26 : memref<1x512xi32, #tpu.memory_space<hbm>> -> memref<512xi32, #tpu.memory_space<hbm>>
      tpu.wait_dma2 semaphore(%run_scoped3A : memref<!tpu.dma_semaphore, #tpu.memory_space<semaphore_mem>>) src(%dma_wait3A_27 : memref<512xi32, #tpu.memory_space<hbm>>) dst(%arg8 : memref<512xi32, #tpu.memory_space<vmem>>)
      tpu.yield
    }) : () -> ()
    "tpu.region"() ({
      %run_scoped3A = tpu.sem_alloc : memref<!tpu.dma_semaphore, #tpu.memory_space<semaphore_mem>>
      %dma_start3A_16 = arith.constant 0 : i32
      %dma_start3A_17 = tpu.memref_slice %arg3[%add3A, %dma_start3A_16] : memref<32x512xi32, #tpu.memory_space<hbm>> -> memref<1x512xi32, #tpu.memory_space<hbm>>
      %dma_start3A_18 = tpu.memref_squeeze %dma_start3A_17 : memref<1x512xi32, #tpu.memory_space<hbm>> -> memref<512xi32, #tpu.memory_space<hbm>>
      %dma_start3A_19 = arith.constant 0 : i32
      %dma_start3A_20 = tpu.memref_slice %arg3[%add3A, %dma_start3A_19] : memref<32x512xi32, #tpu.memory_space<hbm>> -> memref<1x512xi32, #tpu.memory_space<hbm>>
      %dma_start3A_21 = tpu.memref_squeeze %dma_start3A_20 : memref<1x512xi32, #tpu.memory_space<hbm>> -> memref<512xi32, #tpu.memory_space<hbm>>
      tpu.enqueue_dma source(%dma_start3A_21 : memref<512xi32, #tpu.memory_space<hbm>>) target(%arg9 : memref<512xi32, #tpu.memory_space<vmem>>) target_semaphore(%run_scoped3A : memref<!tpu.dma_semaphore, #tpu.memory_space<semaphore_mem>>)
      %dma_wait3A_22 = arith.constant 0 : i32
      %dma_wait3A_23 = tpu.memref_slice %arg3[%add3A, %dma_wait3A_22] : memref<32x512xi32, #tpu.memory_space<hbm>> -> memref<1x512xi32, #tpu.memory_space<hbm>>
      %dma_wait3A_24 = tpu.memref_squeeze %dma_wait3A_23 : memref<1x512xi32, #tpu.memory_space<hbm>> -> memref<512xi32, #tpu.memory_space<hbm>>
      %dma_wait3A_25 = arith.constant 0 : i32
      %dma_wait3A_26 = tpu.memref_slice %arg3[%add3A, %dma_wait3A_25] : memref<32x512xi32, #tpu.memory_space<hbm>> -> memref<1x512xi32, #tpu.memory_space<hbm>>
      %dma_wait3A_27 = tpu.memref_squeeze %dma_wait3A_26 : memref<1x512xi32, #tpu.memory_space<hbm>> -> memref<512xi32, #tpu.memory_space<hbm>>
      tpu.wait_dma2 semaphore(%run_scoped3A : memref<!tpu.dma_semaphore, #tpu.memory_space<semaphore_mem>>) src(%dma_wait3A_27 : memref<512xi32, #tpu.memory_space<hbm>>) dst(%arg9 : memref<512xi32, #tpu.memory_space<vmem>>)
      tpu.yield
    }) : () -> ()
    %scan3A = arith.constant 0 : i32
    %scan3A_1 = arith.constant 0 : i32
    %scan3A_2 = arith.constant 32 : i32
    %scan3A_3 = arith.addi %scan3A_1, %scan3A_2 : i32
    %scan3A_4 = arith.constant 1 : i32
    scf.for %scan3A_16 = %scan3A_1 to %scan3A_3 step %scan3A_4  : i32 {
      %mul3A_17 = arith.constant 16 : i32
      %mul3A_18 = arith.muli %scan3A_16, %mul3A_17 : i32
      %get3A = arith.index_cast %mul3A_18 : i32 to index
      %get3A_19 = tpu.vector_load %arg8[%get3A] {strides = array<i32>} : memref<512xi32, #tpu.memory_space<vmem>>, vector<16xi32>,
      %get3A_20 = vector.shape_cast %get3A_19 : vector<16xi32> to vector<16xi32>
      %mul3A_21 = arith.constant 18 : i32
      %mul3A_22 = vector.broadcast %mul3A_21 : i32 to vector<16xi32>
      %mul3A_23 = arith.muli %get3A_20, %mul3A_22 : vector<16xi32>
      %shift_right_arithmetic3A = arith.constant 3 : i32
      %shift_right_arithmetic3A_24 = vector.broadcast %shift_right_arithmetic3A : i32 to vector<16xi32>
      %shift_right_arithmetic3A_25 = arith.shrsi %mul3A_23, %shift_right_arithmetic3A_24 : vector<16xi32>
      %add3A_26 = arith.constant 0 : i32
      %add3A_27 = vector.broadcast %add3A_26 : i32 to vector<16xi32>
      %add3A_28 = arith.addi %shift_right_arithmetic3A_25, %add3A_27 : vector<16xi32>
      %mul3A_29 = arith.constant 16 : i32
      %mul3A_30 = arith.muli %scan3A_16, %mul3A_29 : i32
      %add3A_31 = arith.constant 0 : i32
      %add3A_32 = arith.addi %add3A_31, %mul3A_30 : i32
      %swap3A = arith.index_cast %add3A_32 : i32 to index
      %swap3A_33 = tpu.vector_load %arg10[%swap3A] {strides = array<i32>} : memref<2048xi32, #tpu.memory_space<vmem>>, vector<16xi32>,
      %swap3A_34 = vector.shape_cast %swap3A_33 : vector<16xi32> to vector<16xi32>
      %swap3A_35 = vector.shape_cast %add3A_28 : vector<16xi32> to vector<16xi32>
      tpu.vector_store %arg10[%swap3A], %swap3A_35 {strides = array<i32>} : memref<2048xi32, #tpu.memory_space<vmem>>, vector<16xi32>,
      %add3A_36 = arith.constant 1 : i32
      %add3A_37 = vector.broadcast %add3A_36 : i32 to vector<16xi32>
      %add3A_38 = arith.addi %shift_right_arithmetic3A_25, %add3A_37 : vector<16xi32>
      %mul3A_39 = arith.constant 16 : i32
      %mul3A_40 = arith.muli %scan3A_16, %mul3A_39 : i32
      %add3A_41 = arith.constant 512 : i32
      %add3A_42 = arith.addi %add3A_41, %mul3A_40 : i32
      %swap3A_43 = arith.index_cast %add3A_42 : i32 to index
      %swap3A_44 = tpu.vector_load %arg10[%swap3A_43] {strides = array<i32>} : memref<2048xi32, #tpu.memory_space<vmem>>, vector<16xi32>,
      %swap3A_45 = vector.shape_cast %swap3A_44 : vector<16xi32> to vector<16xi32>
      %swap3A_46 = vector.shape_cast %add3A_38 : vector<16xi32> to vector<16xi32>
      tpu.vector_store %arg10[%swap3A_43], %swap3A_46 {strides = array<i32>} : memref<2048xi32, #tpu.memory_space<vmem>>, vector<16xi32>,
      %add3A_47 = arith.constant 2 : i32
      %add3A_48 = vector.broadcast %add3A_47 : i32 to vector<16xi32>
      %add3A_49 = arith.addi %shift_right_arithmetic3A_25, %add3A_48 : vector<16xi32>
      %mul3A_50 = arith.constant 16 : i32
      %mul3A_51 = arith.muli %scan3A_16, %mul3A_50 : i32
      %add3A_52 = arith.constant 1024 : i32
      %add3A_53 = arith.addi %add3A_52, %mul3A_51 : i32
      %swap3A_54 = arith.index_cast %add3A_53 : i32 to index
      %swap3A_55 = tpu.vector_load %arg10[%swap3A_54] {strides = array<i32>} : memref<2048xi32, #tpu.memory_space<vmem>>, vector<16xi32>,
      %swap3A_56 = vector.shape_cast %swap3A_55 : vector<16xi32> to vector<16xi32>
      %swap3A_57 = vector.shape_cast %add3A_49 : vector<16xi32> to vector<16xi32>
      tpu.vector_store %arg10[%swap3A_54], %swap3A_57 {strides = array<i32>} : memref<2048xi32, #tpu.memory_space<vmem>>, vector<16xi32>,
      %add3A_58 = arith.constant 3 : i32
      %add3A_59 = vector.broadcast %add3A_58 : i32 to vector<16xi32>
      %add3A_60 = arith.addi %shift_right_arithmetic3A_25, %add3A_59 : vector<16xi32>
      %mul3A_61 = arith.constant 16 : i32
      %mul3A_62 = arith.muli %scan3A_16, %mul3A_61 : i32
      %add3A_63 = arith.constant 1536 : i32
      %add3A_64 = arith.addi %add3A_63, %mul3A_62 : i32
      %swap3A_65 = arith.index_cast %add3A_64 : i32 to index
      %swap3A_66 = tpu.vector_load %arg10[%swap3A_65] {strides = array<i32>} : memref<2048xi32, #tpu.memory_space<vmem>>, vector<16xi32>,
      %swap3A_67 = vector.shape_cast %swap3A_66 : vector<16xi32> to vector<16xi32>
      %swap3A_68 = vector.shape_cast %add3A_60 : vector<16xi32> to vector<16xi32>
      tpu.vector_store %arg10[%swap3A_65], %swap3A_68 {strides = array<i32>} : memref<2048xi32, #tpu.memory_space<vmem>>, vector<16xi32>,
    }
    %scan3A_5 = arith.constant 32 : i32
    %dma_start3A = arith.constant 0 : i32
    %dma_start3A_6 = arith.constant 0 : i32
    %dma_start3A_7 = tpu.memref_slice %arg5[%dma_start3A, %dma_start3A_6] : memref<129x8xf32, #tpu.memory_space<hbm>> -> memref<129x8xf32, #tpu.memory_space<hbm>>
    tpu.enqueue_indirect_dma source(%dma_start3A_7 : memref<129x8xf32, #tpu.memory_space<hbm>>) target(%arg12 : memref<512x8xf32, #tpu.memory_space<vmem>>) offsets(%arg9 : memref<512xi32, #tpu.memory_space<vmem>>) semaphore(%arg13 : memref<!tpu.dma_semaphore, #tpu.memory_space<semaphore_mem>>)
    %dma_start3A_8 = arith.constant 0 : i32
    %dma_start3A_9 = arith.constant 0 : i32
    %dma_start3A_10 = tpu.memref_slice %arg4[%dma_start3A_8, %dma_start3A_9] : memref<594126x8xf32, #tpu.memory_space<hbm>> -> memref<594126x8xf32, #tpu.memory_space<hbm>>
    tpu.enqueue_indirect_dma source(%dma_start3A_10 : memref<594126x8xf32, #tpu.memory_space<hbm>>) target(%arg11 : memref<2048x8xf32, #tpu.memory_space<vmem>>) offsets(%arg10 : memref<2048xi32, #tpu.memory_space<vmem>>) semaphore(%arg13 : memref<!tpu.dma_semaphore, #tpu.memory_space<semaphore_mem>>)
    %dma_wait3A = arith.constant 0 : i32
    %dma_wait3A_11 = arith.constant 0 : i32
    %dma_wait3A_12 = tpu.memref_slice %arg5[%dma_wait3A, %dma_wait3A_11] : memref<129x8xf32, #tpu.memory_space<hbm>> -> memref<129x8xf32, #tpu.memory_space<hbm>>
    tpu.wait_indirect_dma semaphore(%arg13 : memref<!tpu.dma_semaphore, #tpu.memory_space<semaphore_mem>>) src(%dma_wait3A_12 : memref<129x8xf32, #tpu.memory_space<hbm>>) dst(%arg12 : memref<512x8xf32, #tpu.memory_space<vmem>>)
    %dma_wait3A_13 = arith.constant 0 : i32
    %dma_wait3A_14 = arith.constant 0 : i32
    %dma_wait3A_15 = tpu.memref_slice %arg4[%dma_wait3A_13, %dma_wait3A_14] : memref<594126x8xf32, #tpu.memory_space<hbm>> -> memref<594126x8xf32, #tpu.memory_space<hbm>>
    tpu.wait_indirect_dma semaphore(%arg13 : memref<!tpu.dma_semaphore, #tpu.memory_space<semaphore_mem>>) src(%dma_wait3A_15 : memref<594126x8xf32, #tpu.memory_space<hbm>>) dst(%arg11 : memref<2048x8xf32, #tpu.memory_space<vmem>>)
    "tpu.region"() ({
      %run_scoped3A = tpu.sem_alloc : memref<!tpu.dma_semaphore, #tpu.memory_space<semaphore_mem>>
      %dma_start3A_16 = arith.constant 0 : i32
      %dma_start3A_17 = arith.constant 0 : i32
      %dma_start3A_18 = tpu.memref_slice %arg6[%add3A, %dma_start3A_16, %dma_start3A_17] : memref<32x2048x8xf32, #tpu.memory_space<hbm>> -> memref<1x2048x8xf32, #tpu.memory_space<hbm>>
      %dma_start3A_19 = tpu.memref_squeeze %dma_start3A_18 : memref<1x2048x8xf32, #tpu.memory_space<hbm>> -> memref<2048x8xf32, #tpu.memory_space<hbm>>
      %dma_start3A_20 = arith.constant 0 : i32
      %dma_start3A_21 = arith.constant 0 : i32
      %dma_start3A_22 = tpu.memref_slice %arg6[%add3A, %dma_start3A_20, %dma_start3A_21] : memref<32x2048x8xf32, #tpu.memory_space<hbm>> -> memref<1x2048x8xf32, #tpu.memory_space<hbm>>
      %dma_start3A_23 = tpu.memref_squeeze %dma_start3A_22 : memref<1x2048x8xf32, #tpu.memory_space<hbm>> -> memref<2048x8xf32, #tpu.memory_space<hbm>>
      tpu.enqueue_dma source(%arg11 : memref<2048x8xf32, #tpu.memory_space<vmem>>) target(%dma_start3A_23 : memref<2048x8xf32, #tpu.memory_space<hbm>>) target_semaphore(%run_scoped3A : memref<!tpu.dma_semaphore, #tpu.memory_space<semaphore_mem>>)
      %dma_wait3A_24 = arith.constant 0 : i32
      %dma_wait3A_25 = arith.constant 0 : i32
      %dma_wait3A_26 = tpu.memref_slice %arg6[%add3A, %dma_wait3A_24, %dma_wait3A_25] : memref<32x2048x8xf32, #tpu.memory_space<hbm>> -> memref<1x2048x8xf32, #tpu.memory_space<hbm>>
      %dma_wait3A_27 = tpu.memref_squeeze %dma_wait3A_26 : memref<1x2048x8xf32, #tpu.memory_space<hbm>> -> memref<2048x8xf32, #tpu.memory_space<hbm>>
      %dma_wait3A_28 = arith.constant 0 : i32
      %dma_wait3A_29 = arith.constant 0 : i32
      %dma_wait3A_30 = tpu.memref_slice %arg6[%add3A, %dma_wait3A_28, %dma_wait3A_29] : memref<32x2048x8xf32, #tpu.memory_space<hbm>> -> memref<1x2048x8xf32, #tpu.memory_space<hbm>>
      %dma_wait3A_31 = tpu.memref_squeeze %dma_wait3A_30 : memref<1x2048x8xf32, #tpu.memory_space<hbm>> -> memref<2048x8xf32, #tpu.memory_space<hbm>>
      tpu.wait_dma2 semaphore(%run_scoped3A : memref<!tpu.dma_semaphore, #tpu.memory_space<semaphore_mem>>) src(%arg11 : memref<2048x8xf32, #tpu.memory_space<vmem>>) dst(%dma_wait3A_31 : memref<2048x8xf32, #tpu.memory_space<hbm>>)
      tpu.yield
    }) : () -> ()
    "tpu.region"() ({
      %run_scoped3A = tpu.sem_alloc : memref<!tpu.dma_semaphore, #tpu.memory_space<semaphore_mem>>
      %dma_start3A_16 = arith.constant 0 : i32
      %dma_start3A_17 = arith.constant 0 : i32
      %dma_start3A_18 = tpu.memref_slice %arg7[%add3A, %dma_start3A_16, %dma_start3A_17] : memref<32x512x8xf32, #tpu.memory_space<hbm>> -> memref<1x512x8xf32, #tpu.memory_space<hbm>>
      %dma_start3A_19 = tpu.memref_squeeze %dma_start3A_18 : memref<1x512x8xf32, #tpu.memory_space<hbm>> -> memref<512x8xf32, #tpu.memory_space<hbm>>
      %dma_start3A_20 = arith.constant 0 : i32
      %dma_start3A_21 = arith.constant 0 : i32
      %dma_start3A_22 = tpu.memref_slice %arg7[%add3A, %dma_start3A_20, %dma_start3A_21] : memref<32x512x8xf32, #tpu.memory_space<hbm>> -> memref<1x512x8xf32, #tpu.memory_space<hbm>>
      %dma_start3A_23 = tpu.memref_squeeze %dma_start3A_22 : memref<1x512x8xf32, #tpu.memory_space<hbm>> -> memref<512x8xf32, #tpu.memory_space<hbm>>
      tpu.enqueue_dma source(%arg12 : memref<512x8xf32, #tpu.memory_space<vmem>>) target(%dma_start3A_23 : memref<512x8xf32, #tpu.memory_space<hbm>>) target_semaphore(%run_scoped3A : memref<!tpu.dma_semaphore, #tpu.memory_space<semaphore_mem>>)
      %dma_wait3A_24 = arith.constant 0 : i32
      %dma_wait3A_25 = arith.constant 0 : i32
      %dma_wait3A_26 = tpu.memref_slice %arg7[%add3A, %dma_wait3A_24, %dma_wait3A_25] : memref<32x512x8xf32, #tpu.memory_space<hbm>> -> memref<1x512x8xf32, #tpu.memory_space<hbm>>
      %dma_wait3A_27 = tpu.memref_squeeze %dma_wait3A_26 : memref<1x512x8xf32, #tpu.memory_space<hbm>> -> memref<512x8xf32, #tpu.memory_space<hbm>>
      %dma_wait3A_28 = arith.constant 0 : i32
      %dma_wait3A_29 = arith.constant 0 : i32
      %dma_wait3A_30 = tpu.memref_slice %arg7[%add3A, %dma_wait3A_28, %dma_wait3A_29] : memref<32x512x8xf32, #tpu.memory_space<hbm>> -> memref<1x512x8xf32, #tpu.memory_space<hbm>>
      %dma_wait3A_31 = tpu.memref_squeeze %dma_wait3A_30 : memref<1x512x8xf32, #tpu.memory_space<hbm>> -> memref<512x8xf32, #tpu.memory_space<hbm>>
      tpu.wait_dma2 semaphore(%run_scoped3A : memref<!tpu.dma_semaphore, #tpu.memory_space<semaphore_mem>>) src(%arg12 : memref<512x8xf32, #tpu.memory_space<vmem>>) dst(%dma_wait3A_31 : memref<512x8xf32, #tpu.memory_space<hbm>>)
      tpu.yield
    }) : () -> ()
    return
  }
}

module attributes {stable_mosaic.version = 14 : i64} {
  func.func @_mlp_body(%arg0: i32, %arg1: memref<1x1x512x8xf32, #tpu.memory_space<vmem>>, %arg2: memref<1x1x512x8xf32, #tpu.memory_space<vmem>>, %arg3: memref<1x1x512x8xf32, #tpu.memory_space<vmem>>, %arg4: memref<1x1x512x8xf32, #tpu.memory_space<vmem>>, %arg5: memref<512x1xi32, #tpu.memory_space<vmem>>, %arg6: memref<512x8xf32, #tpu.memory_space<vmem>>, %arg7: memref<512x13xf32, #tpu.memory_space<vmem>>, %arg8: memref<45x1024xf32, #tpu.memory_space<vmem>>, %arg9: memref<1x1024xf32, #tpu.memory_space<vmem>>, %arg10: memref<1024x512xbf16, #tpu.memory_space<vmem>>, %arg11: memref<1x512xf32, #tpu.memory_space<vmem>>, %arg12: memref<512x1xf32, #tpu.memory_space<vmem>>, %arg13: memref<1x1xf32, #tpu.memory_space<vmem>>, %arg14: memref<512x1xf32, #tpu.memory_space<vmem>>) attributes {dimension_semantics = [#tpu.dimension_semantics<arbitrary>], iteration_bounds = array<i64: 32>, scalar_prefetch = 0 : i64, scratch_operands = 0 : i64, tpu.core_type = #tpu.core_type<tc>, window_params = [{transform_indices = @transform_0, window_bounds = array<i64: 1, 1, 512, 8>}, {transform_indices = @transform_1, window_bounds = array<i64: 1, 1, 512, 8>}, {transform_indices = @transform_2, window_bounds = array<i64: 1, 1, 512, 8>}, {transform_indices = @transform_3, window_bounds = array<i64: 1, 1, 512, 8>}, {transform_indices = @transform_4, window_bounds = array<i64: 512, 1>}, {transform_indices = @transform_5, window_bounds = array<i64: 512, 8>}, {transform_indices = @transform_6, window_bounds = array<i64: 512, 13>}, {pipeline_mode = #tpu.pipeline_mode<synchronous>, transform_indices = @transform_7, window_bounds = array<i64: 45, 1024>}, {pipeline_mode = #tpu.pipeline_mode<synchronous>, transform_indices = @transform_8, window_bounds = array<i64: 1, 1024>}, {pipeline_mode = #tpu.pipeline_mode<synchronous>, transform_indices = @transform_9, window_bounds = array<i64: 1024, 512>}, {pipeline_mode = #tpu.pipeline_mode<synchronous>, transform_indices = @transform_10, window_bounds = array<i64: 1, 512>}, {pipeline_mode = #tpu.pipeline_mode<synchronous>, transform_indices = @transform_11, window_bounds = array<i64: 512, 1>}, {pipeline_mode = #tpu.pipeline_mode<synchronous>, transform_indices = @transform_12, window_bounds = array<i64: 1, 1>}, {transform_indices = @transform_13, window_bounds = array<i64: 512, 1>}]} {
    %get3A = arith.constant 0 : index
    %get3A_0 = arith.constant 0 : index
    %get3A_1 = arith.constant 0 : index
    %get3A_2 = arith.constant 0 : index
    %get3A_3 = vector.load %arg1[%get3A, %get3A_0, %get3A_1, %get3A_2] : memref<1x1x512x8xf32, #tpu.memory_space<vmem>>, vector<1x1x512x8xf32>
    %reshape3A = vector.shape_cast %get3A_3 : vector<1x1x512x8xf32> to vector<512x8xf32>
    %get3A_4 = arith.constant 0 : index
    %get3A_5 = arith.constant 0 : index
    %get3A_6 = arith.constant 0 : index
    %get3A_7 = arith.constant 0 : index
    %get3A_8 = vector.load %arg2[%get3A_4, %get3A_5, %get3A_6, %get3A_7] : memref<1x1x512x8xf32, #tpu.memory_space<vmem>>, vector<1x1x512x8xf32>
    %reshape3A_9 = vector.shape_cast %get3A_8 : vector<1x1x512x8xf32> to vector<512x8xf32>
    %get3A_10 = arith.constant 0 : index
    %get3A_11 = arith.constant 0 : index
    %get3A_12 = arith.constant 0 : index
    %get3A_13 = arith.constant 0 : index
    %get3A_14 = vector.load %arg3[%get3A_10, %get3A_11, %get3A_12, %get3A_13] : memref<1x1x512x8xf32, #tpu.memory_space<vmem>>, vector<1x1x512x8xf32>
    %reshape3A_15 = vector.shape_cast %get3A_14 : vector<1x1x512x8xf32> to vector<512x8xf32>
    %get3A_16 = arith.constant 0 : index
    %get3A_17 = arith.constant 0 : index
    %get3A_18 = arith.constant 0 : index
    %get3A_19 = arith.constant 0 : index
    %get3A_20 = vector.load %arg4[%get3A_16, %get3A_17, %get3A_18, %get3A_19] : memref<1x1x512x8xf32, #tpu.memory_space<vmem>>, vector<1x1x512x8xf32>
    %reshape3A_21 = vector.shape_cast %get3A_20 : vector<1x1x512x8xf32> to vector<512x8xf32>
    %concatenate3A = tpu.concatenate %reshape3A, %reshape3A_9, %reshape3A_15, %reshape3A_21 in 1 : vector<512x8xf32>, vector<512x8xf32>, vector<512x8xf32>, vector<512x8xf32> -> vector<512x32xf32>
    %get3A_22 = arith.constant 0 : index
    %get3A_23 = arith.constant 0 : index
    %get3A_24 = vector.load %arg5[%get3A_22, %get3A_23] : memref<512x1xi32, #tpu.memory_space<vmem>>, vector<512x1xi32>
    %mul3A = arith.constant 18 : i32
    %mul3A_25 = vector.broadcast %mul3A : i32 to vector<512x1xi32>
    %mul3A_26 = arith.muli %get3A_24, %mul3A_25 : vector<512x1xi32>
    %and3A = arith.constant 7 : i32
    %and3A_27 = vector.broadcast %and3A : i32 to vector<512x1xi32>
    %and3A_28 = arith.andi %mul3A_26, %and3A_27 : vector<512x1xi32>
    %broadcast_in_dim3A = arith.constant 0.000000e+00 : f32
    %broadcast_in_dim3A_29 = vector.broadcast %broadcast_in_dim3A : f32 to vector<512x24xf32>
    %eq3A = arith.constant 0 : i32
    %eq3A_30 = vector.broadcast %eq3A : i32 to vector<512x1xi32>
    %eq3A_31 = arith.cmpi eq, %and3A_28, %eq3A_30 : vector<512x1xi32>
    %convert_element_type3A = arith.extui %eq3A_31 : vector<512x1xi1> to vector<512x1xi32>
    %convert_element_type3A_32 = arith.sitofp %convert_element_type3A : vector<512x1xi32> to vector<512x1xf32>
    %slice3A = vector.extract_strided_slice %concatenate3A {offsets = [0, 0], sizes = [512, 24], strides = [1, 1]} : vector<512x32xf32> to vector<512x24xf32>
    %mul3A_33 = vector.broadcast %convert_element_type3A_32 : vector<512x1xf32> to vector<512x24xf32>
    %mul3A_34 = arith.mulf %mul3A_33, %slice3A : vector<512x24xf32>
    %add3A = arith.addf %broadcast_in_dim3A_29, %mul3A_34 : vector<512x24xf32>
    %eq3A_35 = arith.constant 2 : i32
    %eq3A_36 = vector.broadcast %eq3A_35 : i32 to vector<512x1xi32>
    %eq3A_37 = arith.cmpi eq, %and3A_28, %eq3A_36 : vector<512x1xi32>
    %convert_element_type3A_38 = arith.extui %eq3A_37 : vector<512x1xi1> to vector<512x1xi32>
    %convert_element_type3A_39 = arith.sitofp %convert_element_type3A_38 : vector<512x1xi32> to vector<512x1xf32>
    %slice3A_40 = vector.extract_strided_slice %concatenate3A {offsets = [0, 2], sizes = [512, 24], strides = [1, 1]} : vector<512x32xf32> to vector<512x24xf32>
    %mul3A_41 = vector.broadcast %convert_element_type3A_39 : vector<512x1xf32> to vector<512x24xf32>
    %mul3A_42 = arith.mulf %mul3A_41, %slice3A_40 : vector<512x24xf32>
    %add3A_43 = arith.addf %add3A, %mul3A_42 : vector<512x24xf32>
    %eq3A_44 = arith.constant 4 : i32
    %eq3A_45 = vector.broadcast %eq3A_44 : i32 to vector<512x1xi32>
    %eq3A_46 = arith.cmpi eq, %and3A_28, %eq3A_45 : vector<512x1xi32>
    %convert_element_type3A_47 = arith.extui %eq3A_46 : vector<512x1xi1> to vector<512x1xi32>
    %convert_element_type3A_48 = arith.sitofp %convert_element_type3A_47 : vector<512x1xi32> to vector<512x1xf32>
    %slice3A_49 = vector.extract_strided_slice %concatenate3A {offsets = [0, 4], sizes = [512, 24], strides = [1, 1]} : vector<512x32xf32> to vector<512x24xf32>
    %mul3A_50 = vector.broadcast %convert_element_type3A_48 : vector<512x1xf32> to vector<512x24xf32>
    %mul3A_51 = arith.mulf %mul3A_50, %slice3A_49 : vector<512x24xf32>
    %add3A_52 = arith.addf %add3A_43, %mul3A_51 : vector<512x24xf32>
    %eq3A_53 = arith.constant 6 : i32
    %eq3A_54 = vector.broadcast %eq3A_53 : i32 to vector<512x1xi32>
    %eq3A_55 = arith.cmpi eq, %and3A_28, %eq3A_54 : vector<512x1xi32>
    %convert_element_type3A_56 = arith.extui %eq3A_55 : vector<512x1xi1> to vector<512x1xi32>
    %convert_element_type3A_57 = arith.sitofp %convert_element_type3A_56 : vector<512x1xi32> to vector<512x1xf32>
    %slice3A_58 = vector.extract_strided_slice %concatenate3A {offsets = [0, 6], sizes = [512, 24], strides = [1, 1]} : vector<512x32xf32> to vector<512x24xf32>
    %mul3A_59 = vector.broadcast %convert_element_type3A_57 : vector<512x1xf32> to vector<512x24xf32>
    %mul3A_60 = arith.mulf %mul3A_59, %slice3A_58 : vector<512x24xf32>
    %add3A_61 = arith.addf %add3A_52, %mul3A_60 : vector<512x24xf32>
    %get3A_62 = arith.constant 0 : index
    %get3A_63 = arith.constant 0 : index
    %get3A_64 = vector.load %arg6[%get3A_62, %get3A_63] : memref<512x8xf32, #tpu.memory_space<vmem>>, vector<512x8xf32>
    %get3A_65 = arith.constant 0 : index
    %get3A_66 = arith.constant 0 : index
    %get3A_67 = vector.load %arg7[%get3A_65, %get3A_66] : memref<512x13xf32, #tpu.memory_space<vmem>>, vector<512x13xf32>
    %concatenate3A_68 = tpu.concatenate %add3A_61, %get3A_64, %get3A_67 in 1 : vector<512x24xf32>, vector<512x8xf32>, vector<512x13xf32> -> vector<512x45xf32>
    %get3A_69 = arith.constant 0 : index
    %get3A_70 = arith.constant 0 : index
    %get3A_71 = vector.load %arg8[%get3A_69, %get3A_70] : memref<45x1024xf32, #tpu.memory_space<vmem>>, vector<45x1024xf32>
    %dot_general3A = arith.constant dense<0.000000e+00> : vector<512x1024xf32>
    %dot_general3A_72 = tpu.matmul %concatenate3A_68, %get3A_71, %dot_general3A {dimension_numbers = #tpu.dot_dimension_numbers<[1], [0], [0], [1], [0, 0, 1, 1], [], []>, transpose_lhs_hint = false} : vector<512x45xf32>, vector<45x1024xf32>, vector<512x1024xf32> -> vector<512x1024xf32>
    %get3A_73 = arith.constant 0 : index
    %get3A_74 = arith.constant 0 : index
    %get3A_75 = vector.load %arg9[%get3A_73, %get3A_74] : memref<1x1024xf32, #tpu.memory_space<vmem>>, vector<1x1024xf32>
    %add3A_76 = vector.broadcast %get3A_75 : vector<1x1024xf32> to vector<512x1024xf32>
    %add3A_77 = arith.addf %dot_general3A_72, %add3A_76 : vector<512x1024xf32>
    %max3A = arith.constant 0.000000e+00 : f32
    %max3A_78 = vector.broadcast %max3A : f32 to vector<512x1024xf32>
    %max3A_79 = arith.maximumf %add3A_77, %max3A_78 : vector<512x1024xf32>
    %convert_element_type3A_80 = arith.truncf %max3A_79 : vector<512x1024xf32> to vector<512x1024xbf16>
    %get3A_81 = arith.constant 0 : index
    %get3A_82 = arith.constant 0 : index
    %get3A_83 = vector.load %arg10[%get3A_81, %get3A_82] : memref<1024x512xbf16, #tpu.memory_space<vmem>>, vector<1024x512xbf16>
    %dot_general3A_84 = arith.constant dense<0.000000e+00> : vector<512x512xf32>
    %dot_general3A_85 = tpu.matmul %convert_element_type3A_80, %get3A_83, %dot_general3A_84 {dimension_numbers = #tpu.dot_dimension_numbers<[1], [0], [0], [1], [0, 0, 1, 1], [], []>, transpose_lhs_hint = false} : vector<512x1024xbf16>, vector<1024x512xbf16>, vector<512x512xf32> -> vector<512x512xf32>
    %get3A_86 = arith.constant 0 : index
    %get3A_87 = arith.constant 0 : index
    %get3A_88 = vector.load %arg11[%get3A_86, %get3A_87] : memref<1x512xf32, #tpu.memory_space<vmem>>, vector<1x512xf32>
    %add3A_89 = vector.broadcast %get3A_88 : vector<1x512xf32> to vector<512x512xf32>
    %add3A_90 = arith.addf %dot_general3A_85, %add3A_89 : vector<512x512xf32>
    %max3A_91 = arith.constant 0.000000e+00 : f32
    %max3A_92 = vector.broadcast %max3A_91 : f32 to vector<512x512xf32>
    %max3A_93 = arith.maximumf %add3A_90, %max3A_92 : vector<512x512xf32>
    %get3A_94 = arith.constant 0 : index
    %get3A_95 = arith.constant 0 : index
    %get3A_96 = vector.load %arg12[%get3A_94, %get3A_95] : memref<512x1xf32, #tpu.memory_space<vmem>>, vector<512x1xf32>
    %dot_general3A_97 = arith.constant dense<0.000000e+00> : vector<512x1xf32>
    %dot_general3A_98 = tpu.matmul %max3A_93, %get3A_96, %dot_general3A_97 {dimension_numbers = #tpu.dot_dimension_numbers<[1], [0], [0], [1], [0, 0, 1, 1], [], []>, transpose_lhs_hint = false} : vector<512x512xf32>, vector<512x1xf32>, vector<512x1xf32> -> vector<512x1xf32>
    %get3A_99 = arith.constant 0 : index
    %get3A_100 = arith.constant 0 : index
    %get3A_101 = vector.load %arg13[%get3A_99, %get3A_100] : memref<1x1xf32, #tpu.memory_space<vmem>>, vector<1x1xf32>
    %add3A_102 = vector.broadcast %get3A_101 : vector<1x1xf32> to vector<512x1xf32>
    %add3A_103 = arith.addf %dot_general3A_98, %add3A_102 : vector<512x1xf32>
    %logistic3A = arith.negf %add3A_103 : vector<512x1xf32>
    %logistic3A_104 = math.exp %logistic3A : vector<512x1xf32>
    %logistic3A_105 = arith.constant 1.000000e+00 : f32
    %logistic3A_106 = vector.broadcast %logistic3A_105 : f32 to vector<512x1xf32>
    %logistic3A_107 = arith.addf %logistic3A_106, %logistic3A_104 : vector<512x1xf32>
    %logistic3A_108 = arith.divf %logistic3A_106, %logistic3A_107 : vector<512x1xf32>
    %swap3A = arith.constant 0 : index
    %swap3A_109 = arith.constant 0 : index
    %swap3A_110 = vector.load %arg14[%swap3A, %swap3A_109] : memref<512x1xf32, #tpu.memory_space<vmem>>, vector<512x1xf32>
    tpu.vector_store %arg14[%swap3A, %swap3A_109], %logistic3A_108 {strides = array<i32>} : memref<512x1xf32, #tpu.memory_space<vmem>>, vector<512x1xf32>,
    return
  }
  func.func @transform_0(%arg0: i32) -> (i32, i32, i32, i32) {
    %c0_i32 = arith.constant 0 : i32
    %c0_i32_0 = arith.constant 0 : i32
    %c0_i32_1 = arith.constant 0 : i32
    %c0_i32_2 = arith.constant 0 : i32
    return %arg0, %c0_i32, %c0_i32_0, %c0_i32_1 : i32, i32, i32, i32
  }
  func.func @transform_1(%arg0: i32) -> (i32, i32, i32, i32) {
    %c1_i32 = arith.constant 1 : i32
    %c0_i32 = arith.constant 0 : i32
    %c0_i32_0 = arith.constant 0 : i32
    %c0_i32_1 = arith.constant 0 : i32
    return %arg0, %c1_i32, %c0_i32, %c0_i32_0 : i32, i32, i32, i32
  }
  func.func @transform_2(%arg0: i32) -> (i32, i32, i32, i32) {
    %c2_i32 = arith.constant 2 : i32
    %c0_i32 = arith.constant 0 : i32
    %c0_i32_0 = arith.constant 0 : i32
    %c0_i32_1 = arith.constant 0 : i32
    return %arg0, %c2_i32, %c0_i32, %c0_i32_0 : i32, i32, i32, i32
  }
  func.func @transform_3(%arg0: i32) -> (i32, i32, i32, i32) {
    %c3_i32 = arith.constant 3 : i32
    %c0_i32 = arith.constant 0 : i32
    %c0_i32_0 = arith.constant 0 : i32
    %c0_i32_1 = arith.constant 0 : i32
    return %arg0, %c3_i32, %c0_i32, %c0_i32_0 : i32, i32, i32, i32
  }
  func.func @transform_4(%arg0: i32) -> (i32, i32) {
    %c0_i32 = arith.constant 0 : i32
    %c0_i32_0 = arith.constant 0 : i32
    return %arg0, %c0_i32 : i32, i32
  }
  func.func @transform_5(%arg0: i32) -> (i32, i32) {
    %c0_i32 = arith.constant 0 : i32
    %c0_i32_0 = arith.constant 0 : i32
    return %arg0, %c0_i32 : i32, i32
  }
  func.func @transform_6(%arg0: i32) -> (i32, i32) {
    %c0_i32 = arith.constant 0 : i32
    %c0_i32_0 = arith.constant 0 : i32
    return %arg0, %c0_i32 : i32, i32
  }
  func.func @transform_7(%arg0: i32) -> (i32, i32) {
    %c0_i32 = arith.constant 0 : i32
    %c0_i32_0 = arith.constant 0 : i32
    %c0_i32_1 = arith.constant 0 : i32
    return %c0_i32, %c0_i32_0 : i32, i32
  }
  func.func @transform_8(%arg0: i32) -> (i32, i32) {
    %c0_i32 = arith.constant 0 : i32
    %c0_i32_0 = arith.constant 0 : i32
    %c0_i32_1 = arith.constant 0 : i32
    return %c0_i32, %c0_i32_0 : i32, i32
  }
  func.func @transform_9(%arg0: i32) -> (i32, i32) {
    %c0_i32 = arith.constant 0 : i32
    %c0_i32_0 = arith.constant 0 : i32
    %c0_i32_1 = arith.constant 0 : i32
    return %c0_i32, %c0_i32_0 : i32, i32
  }
  func.func @transform_10(%arg0: i32) -> (i32, i32) {
    %c0_i32 = arith.constant 0 : i32
    %c0_i32_0 = arith.constant 0 : i32
    %c0_i32_1 = arith.constant 0 : i32
    return %c0_i32, %c0_i32_0 : i32, i32
  }
  func.func @transform_11(%arg0: i32) -> (i32, i32) {
    %c0_i32 = arith.constant 0 : i32
    %c0_i32_0 = arith.constant 0 : i32
    %c0_i32_1 = arith.constant 0 : i32
    return %c0_i32, %c0_i32_0 : i32, i32
  }
  func.func @transform_12(%arg0: i32) -> (i32, i32) {
    %c0_i32 = arith.constant 0 : i32
    %c0_i32_0 = arith.constant 0 : i32
    %c0_i32_1 = arith.constant 0 : i32
    return %c0_i32, %c0_i32_0 : i32, i32
  }
  func.func @transform_13(%arg0: i32) -> (i32, i32) {
    %c0_i32 = arith.constant 0 : i32
    %c0_i32_0 = arith.constant 0 : i32
    return %arg0, %c0_i32 : i32, i32
  }
}

</mosaic_0001>

<sc_bundles>
// kernel: kernel.4.cloned.1.call-start
scs
__scs_entry_jumppad:
0x0: {  	(pc) =	sbr.rel $0x88, $3  }
0x1: {  	(tag) =	ssettag $0x0;
	lr =	simm.s32 $0x1  }
0x2: {  	[smem:$0x3F96] =	sst lr;
	_ =	strace $0xD0000000  }
0x3: {  	_ = 	snop  }
0x4: {  	_ = 	snop  }
0x5: {  	_ = 	snop  }
0x6: {  	_ = 	snop  }
0x7: {  	_ = 	snop  }
__scs_overlays_trampoline_lowered:
0x8: {  	[smem:$0x3FA5] =	sst s0  }
0x9: {  	[smem:$0x3FA6] =	sst s1  }
0xa: {  	[smem:$0x3FA7] =	sst s2  }
0xb: {  	[smem:$0x3FA8] =	sst s3  }
0xc: {  	[smem:$0x3FA9] =	sst s4  }
0xd: {  	[smem:$0x3FAA] =	sst s5  }
0xe: {  	[smem:$0x3FAB] =	sst s6  }
0xf: {  	[smem:$0x3FAC] =	sst s7  }
0x10: {  	[smem:$0x3FAD] =	sst s8  }
0x11: {  	[smem:$0x3FAE] =	sst s9;
	s0 =	simm.s32 @!p0 $0x0  }
0x12: {  	s1 =	sld [smem:$0x3F94];
	s0 =	simm.s32 @p0 $0x1  }
0x13: {  	[smem:$0x3FAF] =	sst s0;
	s0 =	simm.s32 @!p1 $0x0  }
0x14: {  	s2 =	sld [smem:$0x3F93];
	s0 =	simm.s32 @p1 $0x1  }
0x15: {  	[smem:$0x3FB0] =	sst s0;
	s0 =	simm.s32 @!p2 $0x0  }
0x16: {  	s3 =	sld [smem:$0x3FDB];
	s0 =	simm.s32 @p2 $0x1  }
0x17: {  	s4 =	simm.s32 $0x1BF5;
	[smem:$0x3FB2] =	sst s0  }
0x18: {  	s0 =	sld [smem:$0x3F95];
	_ =	swait.ge [sflag:s4], $0x0  }
0x19: {  	s7 =	sld [smem:$0x3F96]  }
0x1a: {  	s8 =	sadd.s32 $0xFFFFE003, lr  }
0x1b: {  	s9 =	sadd.s32 $0xFFFFFEF7, lr;
	s5 =	simm.s32 $0xFFFFFFFF;
	p2 =	slt.u32 s8, $0xFFFFF086  }
0x1c: {  	p1 =	slt.u32 s9, $0xF7A;
	s5 =	simm.s32 @!p2 $0x0  }
0x1d: {  	s5 =	simm.s32 @p1 $0x1;
	p0 =	seq.s32 s7, s2  }
0x1e: {  	s7 =	smul.u32 @!p0 $0xF7A, s2;
	p2 =	seq.s32 @!p0 s5, $0x0  }
0x1f: {  	s9 =	smul.u32 $0xF7A, s1;
	s8 =	simm.s32 @!p0 $0x1BF5;
	p2 =	por !p2, p0  }
0x20: {  	[sflag:s8] =	ssyncset.s32 @!p0 $0xFFFFF086;
	s6 =	sadd.s32 @!p0 s3, s7;
	s7 =	simm.s32 @!p0 $0x108  }
0x21: {  	s3 =	sadd.s32 s3, s9;
	s6 =	sadd.s32 @!p0 $0x88, s6;
	s7 =	simm.s32 @p2 $0x1082  }
0x22: {  	[simem:s7], [sflag:s8] =	dma.local @!p0 [hbm:s6], $0xF7A  }
0x23: {  	s9 =	sor.u32 $0xD0000000, s2;
	s6 =	simm.s32 $0x108;
	_ =	swait.ge @!p0 [sflag:s8], $0x0  }
0x24: {  	s3 =	sadd.s32 $0x88, s3;
	s6 =	simm.s32 @!p1 $0x1082;
	[sflag:s4] =	ssyncset.s32 $0xFFFFF086  }
0x25: {  	[simem:s6], [sflag:s4] =	dma.local [hbm:s3], $0xF7A  }
0x26: {  	[smem:$0x3F96] =	sst s1;
	(tag) =	ssettag s2;
	_ =	strace s9  }
0x27: {  	s1 =	sld [smem:$0x3FA6]  }
0x28: {  	s2 =	sld [smem:$0x3FA7]  }
0x29: {  	s4 =	sld [smem:$0x3FA9]  }
0x2a: {  	p0 =	seq.s32 s5, $0x0;
	s5 =	sld [smem:$0x3FAA]  }
0x2b: {  	s6 =	sld [smem:$0x3FAB]  }
0x2c: {  	s7 =	sld [smem:$0x3FAC]  }
0x2d: {  	s3 =	simm.s32 $0x108;
	s8 =	sld [smem:$0x3FAD]  }
0x2e: {  	s3 =	simm.s32 @!p0 $0x1082;
	s9 =	sld [smem:$0x3FAE]  }
0x2f: {  	lr =	sadd.s32 s0, s3;
	s0 =	sld [smem:$0x3FA5]  }
0x30: {  	s3 =	sld [smem:$0x3FA8]  }
0x31: {  	[smem:$0x3FB1] =	sst s10  }
0x32: {  	s10 =	sld [smem:$0x3FAF];
	_ =	sdelay $0x3  }
0x33: {  	p0 =	seq.s32 s10, $0x1;
	s10 =	sld [smem:$0x3FB1];
	_ =	sdelay $0x3  }
0x34: {  	[smem:$0x3FB1] =	sst s10  }
0x35: {  	s10 =	sld [smem:$0x3FB0];
	_ =	sdelay $0x3  }
0x36: {  	p1 =	seq.s32 s10, $0x1;
	s10 =	sld [smem:$0x3FB1];
	_ =	sdelay $0x3  }
0x37: {  	[smem:$0x3FB1] =	sst s10  }
0x38: {  	s10 =	sld [smem:$0x3FB2]  }
0x39: {  	_ = 	snop;
	(pc) =	sbr.ind lr, $3  }
0x3a: {  	_ = 	snop  }
0x3b: {  	_ = 	snop  }
0x3c: {  	p2 =	seq.s32 s10, $0x1;
	s10 =	sld [smem:$0x3FB1]  }
0x3d: {  	_ =	shalt  }
0x3e: {  	_ =	shalt  }
0x3f: {  	_ =	shalt  }
0x40: {  	_ =	shalt  }
0x41: {  	_ =	shalt  }
0x42: {  	_ =	shalt  }
0x43: {  	_ =	shalt  }
0x44: {  	_ =	shalt  }
0x45: {  	_ =	shalt  }
0x46: {  	_ =	shalt  }
0x47: {  	_ =	shalt  }
0x48: {  	_ =	shalt  }
0x49: {  	_ =	shalt  }
0x4a: {  	_ =	shalt  }
0x4b: {  	_ =	shalt  }
0x4c: {  	_ =	shalt  }
0x4d: {  	_ =	shalt  }
0x4e: {  	_ =	shalt  }
0x4f: {  	_ =	shalt  }
0x50: {  	_ =	shalt  }
0x51: {  	_ =	shalt  }
0x52: {  	_ =	shalt  }
0x53: {  	_ =	shalt  }
0x54: {  	_ =	shalt  }
0x55: {  	_ =	shalt  }
0x56: {  	_ =	shalt  }
0x57: {  	_ =	shalt  }
0x58: {  	_ =	shalt  }
0x59: {  	_ =	shalt  }
0x5a: {  	_ =	shalt  }
0x5b: {  	_ =	shalt  }
0x5c: {  	_ =	shalt  }
0x5d: {  	_ =	shalt  }
0x5e: {  	_ =	shalt  }
0x5f: {  	_ =	shalt  }
0x60: {  	_ =	shalt  }
0x61: {  	_ =	shalt  }
0x62: {  	_ =	shalt  }
0x63: {  	_ =	shalt  }
0x64: {  	_ =	shalt  }
0x65: {  	_ =	shalt  }
0x66: {  	_ =	shalt  }
0x67: {  	_ =	shalt  }
0x68: {  	_ =	shalt  }
0x69: {  	_ =	shalt  }
0x6a: {  	_ =	shalt  }
0x6b: {  	_ =	shalt  }
0x6c: {  	_ =	shalt  }
0x6d: {  	_ =	shalt  }
0x6e: {  	_ =	shalt  }
0x6f: {  	_ =	shalt  }
0x70: {  	_ =	shalt  }
0x71: {  	_ =	shalt  }
0x72: {  	_ =	shalt  }
0x73: {  	_ =	shalt  }
0x74: {  	_ =	shalt  }
0x75: {  	_ =	shalt  }
0x76: {  	_ =	shalt  }
0x77: {  	_ =	shalt  }
0x78: {  	_ =	shalt  }
0x79: {  	_ =	shalt  }
0x7a: {  	_ =	shalt  }
0x7b: {  	_ =	shalt  }
0x7c: {  	_ =	shalt  }
0x7d: {  	_ =	shalt  }
0x7e: {  	_ =	shalt  }
0x7f: {  	_ =	shalt  }
0x80: {  	_ =	shalt  }
0x81: {  	_ =	shalt  }
0x82: {  	_ =	shalt  }
0x83: {  	_ =	shalt  }
0x84: {  	_ =	shalt  }
0x85: {  	_ =	shalt  }
0x86: {  	_ =	shalt  }
0x87: {  	_ =	shalt  }
.Lfunc_end0:
.L_simem_size_0:
called_computation_lowered:
.L_overlay_start_0:
0x88: {  	s2 =	sld [smem:$0x3FD9]  }
0x89: {  	s3 =	sld [smem:$0x3FFE];
	_ =	sdelay $0x1  }
0x8a: {  	s1 =	srdreg.scid  }
0x8b: {  	s0 =	sand.u32 $0x1, s1  }
0x8c: {  	s17 =	sshll.u32 s0, $0xA;
	s2 =	sadd.s32 s3, s2  }
0x8d: {  	s2 =	sadd.s32 s2, s17  }
0x8e: {  	[smem:$0x3FBD] =	sst s2  }
0x8f: {  	_ = 	snop  }
0x90: {  	s2 =	sld [smem:$0x3FC9]  }
0x91: {  	s18 =	sld [smem:$0x3FC8]  }
0x92: {  	s4 =	sld [smem:$0x3FD0];
	(tm) =	ssettm $0x1  }
0x93: {  	s5 =	sld [smem:$0x3FFB];
	_ =	sdelay $0x3  }
0x94: {  	_ =	strace s5  }
0x95: {  	s5 =	sld [smem:$0x3FFC];
	_ =	sdelay $0x3  }
0x96: {  	_ =	strace s5  }
0x97: {  	s5 =	sld [smem:$0x3FFD];
	_ =	sdelay $0x3  }
0x98: {  	_ =	strace s5  }
0x99: {  	_ =	strace $0x8FFFFFFF  }
0x9a: {  	s19 =	sld [smem:$0x3FDB];
	_ =	sdelay $0x1  }
0x9b: {  	s6 =	simm.s32 $_scs_section_size  }
0x9c: {  	s7 =	simm.s32 $_size__tile_overlayer_lowered;
	s8 =	simm.s32 $_tile_overlayer_lowered  }
0x9d: {  	s22 =	simm.s32 $0x1BFF;
	s21 =	sshll.u32 s8, $0x1;
	s5 =	sadd.s32 s6, s19  }
0x9e: {  	s9 =	simm.s32 $0x0;
	s20 =	sshll.u32 s7, $0x1;
	s7 =	sadd.s32 s21, s5  }
0x9f: {  	[timem:s9], [sflag:s22] =	dma.local [hbm:s7], s20  }
0xa0: {  	_ =	swait.ge [sflag:s22], s20  }
0xa1: {  	s6 =	ssub.s32 $0x0, s20;
	[sflag:s22] =	ssyncset.done $0x0  }
0xa2: {  	[sflag:s22] =	ssyncadd.s32 s6;
	_ =	sdelay $0x1  }
0xa3: {  	s23 =	simm.s32 $0x1B8B  }
0xa4: {  	_ =	swait.ge [sflag:s23], $0x1  }
0xa5: {  	[sflag:s23] =	ssyncset.done $0x0  }
0xa6: {  	s25 =	simm.s32 $0x1B8E;
	s24 =	sld [smem:$0x3FFE];
	[sflag:s23] =	ssyncadd.s32 $0xFFFFFFFF  }
0xa7: {  	s26 =	simm.s32 $execute0_lowered;
	[smem:$0x3FD2] =	sst s25  }
0xa8: {  	s7 =	sshll.u32 s26, $0x1;
	_ =	strace $0x80000046;
	[dreg:$0x1] =	wrdreg $0xFFFFFFFF  }
0xa9: {  	s28 =	simm.s32 $_size_execute0_lowered;
	s5 =	sadd.s32 s5, s7;
	[dreg:$0x0] =	wrdreg $0x0  }
0xaa: {  	s7 =	sshll.u32 s28, $0x1;
	[dreg:$0x2] =	wrdreg s5  }
0xab: {  	[dreg:$0x3] =	wrdreg s7  }
0xac: {  	[dreg:$0x4] =	wrdreg $0xC0  }
0xad: {  	_ =	task [dreg:s9], $0x5FFFF  }
0xae: {  	[dreg:$0x1] =	wrdreg $0xFFFFFFFF  }
0xaf: {  	[dreg:$0x0] =	wrdreg $0x60  }
0xb0: {  	[dreg:$0x2] =	wrdreg s2  }
0xb1: {  	[dreg:$0x3] =	wrdreg s18  }
0xb2: {  	[dreg:$0x4] =	wrdreg s24  }
0xb3: {  	[dreg:$0x5] =	wrdreg s4  }
0xb4: {  	[dreg:$0x6] =	wrdreg $0x9  }
0xb5: {  	_ =	task.clear_ibuf [dreg:s9], $0x7FFFF;
	_ =	strace $0x90000046  }
0xb6: {  	s29 =	simm.s32 $0x9;
	_ =	strace $0x80000048  }
0xb7: {  	_ =	swait.ge [sflag:s29], $0x1  }
0xb8: {  	[sflag:s29] =	ssyncadd.s32 $0xFFFFFFFF  }
0xb9: {  	_ =	strace $0x90000048  }
0xba: {  	_ =	sfence  }
0xbb: {  	s30 =	sld [smem:$0x0];
	_ =	sdelay $0x2  }
0xbc: {  	s31 =	sshll.u32 s1, $0xD;
	s1 =	sshrl.u32 s1, $0x2  }
0xbd: {  	s3 =	sand.u32 $0x4000, s31;
	s1 =	sadd.s32 s1, s30  }
0xbe: {  	s0 =	sor.u32 s3, s0;
	s1 =	sshll.u32 s1, $0x11  }
0xbf: {  	s0 =	sor.u32 s1, s0  }
0xc0: {  	s0 =	sadd.s32 $0x8F2B, s0  }
0xc1: {  	[sflag:s0] =	ssyncadd.remote.s32 $0x1  }
0xc2: {  	_ =	sfence.sel $0xFFFF  }
0xc3: {  	[dreg:$0x0] =	wrdreg $0xFFFFFFFF;
	(pc) =	sbr.abs _section_cstart, $3  }
0xc4: {  	[dreg:$0x1] =	wrdreg $0xFFFFFFFF  }
0xc5: {  	_ =	task.clear_ibuf [dreg:s9], $0x2FFFF;
	_ =	strace $0x9FFFFFFF  }
0xc6: {  	(tm) =	ssettm $0x7FFFFFFF  }
0xc7: {  	_ =	shalt  }
tec
execute0_lowered:
.L_overlay_start_1:
0x0: {  	(tag) =	ssettag $0x1  }
0x1: {  	s5 =	rddreg [dreg:$0x0]  }
0x2: {  	s6 =	rddreg [dreg:$0x1]  }
0x3: {  	s7 =	rddreg [dreg:$0x2]  }
0x4: {  	s2 =	rddreg [dreg:$0x3]  }
0x5: {  	s0 =	rddreg [dreg:$0x4]  }
0x6: {  	s4 =	srdreg.scid;
	s1 =	stileid.u32;
	s3 =	simm.s32 $0x0  }
0x7: {  	s13 =	simm.s32 $0x800;
	s14 =	simm.s32 $0x400;
	s15 =	simm.s32 $0xC00  }
0x8: {  	s16 =	simm.s32 $0x1;
	s17 =	simm.s32 $0x0;
	s8 =	sand.u32 $0x1, s4  }
0x9: {  	s31 =	sshll.u32 s1, $0x1;
	[smem:$0x7FF] =	sst s3;
	s4 =	sadd.s32 $0x1E00, s7  }
0xa: {  	s9 =	sor.u32 s8, s31;
	_ =	strace $0x80000047;
	s8 =	ssub.s32 $0x2, s8  }
0xb: {  	s10 =	sshll.u32 s9, $0xB;
	s11 =	sshll.u32 s9, $0x9;
	s12 =	sshrl.u32 s8, $0x1  }
0xc: {  	s9 =	sshll.u32 s9, $0x6;
	s10 =	sadd.s32 s10, s7;
	s11 =	sadd.s32 s11, s7  }
0xd: {  	s12 =	ssub.s32 s8, s12;
	s5 =	sadd.s32 s5, s9;
	s6 =	sadd.s32 s6, s9  }
0xe: {  	s7 =	sadd.s32 $0x93000, s10;
	s8 =	sadd.s32 $0xA3000, s11;
	s9 =	smax.u32 s12, $0x1  }
0xf: {  	s10 =	simm.s32 $0x2;
	s11 =	simm.s32 $0x200;
	s12 =	simm.s32 $0x4C00  }
.LBB2_1:
0x10: {  	[tilespmem:s3], [sflag:$0x2] =	stream.linear.gather [hbm4b:s5+s3], $0x200, $0x38;
	[tilespmem:$0x5C00] =	vst v63  }
0x11: {  	_ =	swait.ge [sflag:s10], $0x200  }
0x12: {  	[sflag:s10] =	ssyncset.done $0x0  }
0x13: {  	[sflag:s10] =	ssyncadd.s32 $0xFFFFFE00  }
0x14: {  	[tilespmem:s11], [sflag:$0x2] =	stream.linear.gather [hbm4b:s6+s3], $0x200, $0x38;
	[tilespmem:$0x5C00] =	vst v63  }
0x15: {  	_ =	swait.ge [sflag:s10], $0x200  }
0x16: {  	[sflag:s10] =	ssyncset.done $0x0  }
0x17: {  	s19 =	simm.s32 $0x0;
	[sflag:s10] =	ssyncadd.s32 $0xFFFFFE00  }
0x18: {  	v0 =	vld [tilespmem:s19+$0x0];
	_ =	sdelay $0x4  }
0x19: {  	s18 =	simm.s32 $0x10;
	v1 =	vmul.u32 $0x12, v0  }
0x1a: {  	v0 =	vld [tilespmem:s18+$0x0]  }
0x1b: {  	v1 =	vshra.s32 v1, $0x3  }
0x1c: {  	[tilespmem:s19+$0x400] =	vst v1;
	v2 =	vadd.s32 $0x3, v1  }
0x1d: {  	v3 =	vadd.s32 $0x1, v1;
	[tilespmem:s19+$0xA00] =	vst v2  }
0x1e: {  	s20 =	simm.s32 $0x80;
	v1 =	vadd.s32 $0x2, v1;
	[tilespmem:s19+$0x600] =	vst v3  }
.LBB2_2:
0x1f: {  	s21 =	sshra.s32 s20, $0x2;
	p0 =	sne.s32 s20, $0x7C0;
	s20 =	sadd.s32 $0x40, s20;
	v2 =	vmul.u32 $0x12, v0;
	[tilespmem:s19+$0x800] =	vst v1  }
.Ltmp0:
0x20: {  	s19 =	smov.u32 s18;
	v0 =	vld [tilespmem:s21+$0x0];
	s18 =	smov.u32 s21;
	(pc) =	sbr.rel @p0 .LBB2_2-.Ltmp0, $4  }
0x21: {  	v2 =	vshra.s32 v2, $0x3  }
0x22: {  	[tilespmem:s19+$0x400] =	vst v2;
	v3 =	vadd.s32 $0x1, v2;
	v1 =	vadd.s32 $0x2, v2;
	v2 =	vadd.s32 $0x3, v2  }
0x23: {  	[tilespmem:s19+$0xA00] =	vst v2  }
0x24: {  	[tilespmem:s19+$0x600] =	vst v3  }
0x25: {  	v0 =	vmul.u32 $0x12, v0;
	_ =	sdelay $0x1  }
0x26: {  	[tilespmem:s19+$0x800] =	vst v1;
	v0 =	vshra.s32 v0, $0x3  }
0x27: {  	[tilespmem:s18+$0x400] =	vst v0;
	v63 =	vadd.s32 $0x3, v0  }
0x28: {  	v2 =	vadd.s32 $0x1, v0;
	[tilespmem:s18+$0xA00] =	vst v63  }
0x29: {  	v0 =	vadd.s32 $0x2, v0;
	[tilespmem:s18+$0x600] =	vst v2  }
0x2a: {  	[tilespmem:s18+$0x800] =	vst v0  }
0x2b: {  	[tilespmem:s12], [sflag:$0x1] =	stream.indirect.gather [hbm4b:s2+s11], $0x8, s11, s11, $0xb8;
	[tilespmem:$0x5C00] =	vst v63  }
0x2c: {  	_ = 	snop  }
0x2d: {  	[tilespmem:s15], [sflag:$0x1] =	stream.indirect.gather [hbm4b:s4+s13], $0x8, s14, s13, $0xb8;
	[tilespmem:$0x5C00] =	vst v63  }
0x2e: {  	_ =	swait.ge [sflag:s16], $0x1000  }
0x2f: {  	[sflag:s16] =	ssyncset.done $0x0  }
0x30: {  	[sflag:s16] =	ssyncadd.s32 $0xFFFFF000  }
0x31: {  	_ =	swait.ge [sflag:s16], $0x4000  }
0x32: {  	[sflag:s16] =	ssyncset.done $0x0  }
0x33: {  	[sflag:s16] =	ssyncadd.s32 $0xFFFFC000  }
0x34: {  	[hbm4b:s7+s3] =	stream.linear.scatter [tilespmem:s15], [sflag:$0x2], $0x4000, $0x38;
	[tilespmem:$0x5C00] =	vst v63  }
0x35: {  	s17 =	sadd.s32 $0x1, s17;
	_ =	swait.ge [sflag:s10], $0x4000  }
0x36: {  	p0 =	sne.s32 s17, s9;
	[sflag:s10] =	ssyncset.done $0x0  }
.Ltmp1:
0x37: {  	[sflag:s10] =	ssyncadd.s32 $0xFFFFC000;
	(pc) =	sbr.rel @p0 .LBB2_1-.Ltmp1, $4  }
0x38: {  	[hbm4b:s8+s3] =	stream.linear.scatter [tilespmem:s12], [sflag:$0x2], $0x1000, $0x38;
	[tilespmem:$0x5C00] =	vst v63  }
0x39: {  	_ =	swait.ge [sflag:s10], $0x1000  }
0x3a: {  	[sflag:s10] =	ssyncset.done $0x0  }
0x3b: {  	[sflag:s10] =	ssyncadd.s32 $0xFFFFF000  }
0x3c: {  	_ =	sfence.sel $0x180000  }
0x3d: {  	[bflag:$0x0] =	sbarrier.arrive $0xFFFF  }
0x3e: {  	p0 =	sne.s32 s1, $0x0;
	_ =	strace $0x90000047  }
0x3f: {  	s0 =	sadd.s32 @!p0 $0x100000, s0;
	[bflag:$0x2] =	sbarrier.arrive $0xFFFF  }
0x40: {  	[sflag:s0] =	ssyncadd.tile.s32 @!p0 $0x1;
	_ =	shalt  }
.Lfunc_end2:
_tile_overlayer_lowered:
.L_overlay_start_2:
0x41: {  	(tag) =	ssettag $0x2  }
0x42: {  	s0 =	rddreg [dreg:$0x0];
	s2 =	stileid.u32  }
0x43: {  	s1 =	rddreg [dreg:$0x1];
	p0 =	sne.s32 s2, $0x0  }
0x44: {  	s3 =	rddreg [dreg:$0x2];
	[bflag:$0x3] =	sbarrier.arrive $0xFFFF;
	s2 =	simm.s32 @!p0 $0x1C02  }
0x45: {  	[timem:s3], [sflag:s2] =	dma.local @!p0 [hbm:s0], s1  }
0x46: {  	s0 =	simm.s32 @!p0 $0x2  }
0x47: {  	_ =	swait.ge @!p0 [sflag:s0], s1  }
0x48: {  	s1 =	ssub.s32 @!p0 $0x0, s1;
	[sflag:s0] =	ssyncset.done @!p0 $0x0  }
0x49: {  	[sflag:s0] =	ssyncadd.s32 @!p0 s1  }
0x4a: {  	[bflag:$0x3] =	sbarrier.arrive $0xFFFF  }
0x4b: {  	_ =	shalt  }

</sc_bundles>
